<compile_context>
chip_gen: v7x
topology: tpu7x:2x2x1
jax: 0.10.2.dev20260603
libtpu: 0.0.44.dev20260713+nightly
codegen_flags: <defaults>
</compile_context>

<pallas_src>
import functools

import jax
import jax.numpy as jnp
from jax import lax
from jax.experimental import pallas as pl
from jax.experimental.pallas import tpu as pltpu
from jax.experimental.pallas import tpu_sc as plsc

NUM_CLASSES = 100000
HIDDEN = 64
BATCH = 16384

NC = 2
NS = 16
L = 16
NW = NC * NS
CHUNK = BATCH // NW


def _sc_body(labels_hbm, fd_hbm, table_hbm, out_hbm, lbl_v, fd_v, rows_v, sem):
    wid = lax.axis_index("s") * NC + lax.axis_index("c")
    base = wid * CHUNK

    pltpu.sync_copy(labels_hbm.at[pl.ds(base, CHUNK)], lbl_v)
    pltpu.sync_copy(fd_hbm.at[pl.ds(base, CHUNK)], fd_v)

    def fire_group(g, carry):
        sl = pl.ds(g * L, L)
        lbl = lbl_v[sl]
        fd = fd_v[sl]
        idx = jnp.where(fd == 1, jnp.int32(NUM_CLASSES), lbl)
        for j in range(L):
            pltpu.async_copy(table_hbm.at[idx[j]], rows_v.at[g * L + j], sem)
        return carry

    lax.fori_loop(0, CHUNK // L, fire_group, 0)

    pltpu.make_async_copy(table_hbm.at[pl.ds(0, CHUNK)], rows_v, sem).wait()

    pltpu.sync_copy(rows_v, out_hbm.at[pl.ds(base, CHUNK)])


@functools.lru_cache(maxsize=1)
def _build():
    mesh = plsc.VectorSubcoreMesh(
        core_axis_name="c", subcore_axis_name="s",
        num_cores=NC, num_subcores=NS)
    return pl.kernel(
        _sc_body,
        out_type=jax.ShapeDtypeStruct((BATCH, HIDDEN), jnp.float32),
        mesh=mesh,
        scratch_types=[
            pltpu.VMEM((CHUNK,), jnp.int32),
            pltpu.VMEM((CHUNK,), jnp.int32),
            pltpu.VMEM((CHUNK, HIDDEN), jnp.float32),
            pltpu.SemaphoreType.DMA,
        ],
        compiler_params=pltpu.CompilerParams(use_tc_tiling_on_sc=True),
    )


def kernel(labels, train, force_drop_ids, embedding_table):
    del train
    return _build()(labels, force_drop_ids, embedding_table)

# --- scband reference (transcript-rebuilt; emitter-appended) ---
"""Pipeline reference for scband-label-embedder-81793357185519 (READ-ONLY COPY).

The authoritative reference and input builder live on the scoring server;
editing this copy changes nothing except your own understanding.
"""

import jax, jax.numpy as jnp
import numpy as np

NUM_CLASSES = 100000
HIDDEN_SIZE = 64
DROPOUT_PROB = 0.1
BATCH = 16384

def setup_inputs(seed: int = 0) -> dict:
    key = jax.random.key(seed)
    k1, k2 = jax.random.split(key)
    labels = jax.random.randint(k1, (BATCH,), 0, NUM_CLASSES, dtype=jnp.int32)
    train = False
    force_drop_ids = jnp.zeros((BATCH,), dtype=jnp.int32)
    # embedding table has num_classes + 1 rows because dropout_prob > 0 (cfg embedding row)
    embedding_table = jax.random.normal(k2, (NUM_CLASSES + 1, HIDDEN_SIZE), dtype=jnp.float32)
    return {"labels": labels, "train": train, "force_drop_ids": force_drop_ids, "embedding_table": embedding_table}

def reference(labels, train, force_drop_ids, embedding_table):
    use_dropout = DROPOUT_PROB > 0
    take_branch = jnp.logical_or(
        jnp.logical_and(jnp.asarray(train), use_dropout),
        force_drop_ids is not None,
    )
    # token_drop with force_drop_ids provided: deterministic
    drop_ids = force_drop_ids == 1
    dropped_labels = jnp.where(drop_ids, NUM_CLASSES, labels)
    labels = jnp.where(take_branch, dropped_labels, labels)
    embeddings = jnp.take(embedding_table, labels, axis=0)
    return embeddings

if __name__ == "__main__":
    import jax
    _d = setup_inputs()
    print(jax.jit(kernel)(*tuple(_d.values())))

</pallas_src>

<mosaic_0001>
#map = affine_map<(d0, d1) -> (0)>
#map1 = affine_map<(d0, d1) -> (0, 0)>
module attributes {stable_mosaic.version = 14 : i64} {
  func.func @_sc_body(%arg0: i32, %arg1: i32, %arg2: memref<16384xi32, #tpu.memory_space<hbm>>, %arg3: memref<16384xi32, #tpu.memory_space<hbm>>, %arg4: memref<100001x64xf32, #tpu.memory_space<hbm>>, %arg5: memref<16384x64xf32, #tpu.memory_space<hbm>>, %arg6: memref<512xi32, #tpu.memory_space<vmem>>, %arg7: memref<512xi32, #tpu.memory_space<vmem>>, %arg8: memref<512x64xf32, #tpu.memory_space<vmem>>, %arg9: memref<!tpu.dma_semaphore, #tpu.memory_space<semaphore_mem>>) attributes {dimension_semantics = [#tpu.dimension_semantics<core_parallel>, #tpu.dimension_semantics<subcore_parallel>], iteration_bounds = array<i64: 2, 16>, scalar_prefetch = 0 : i64, scratch_operands = 4 : i64, tpu.core_type = #tpu.core_type<sc_vector_subcore>, window_params = [{transform_indices = #map}, {transform_indices = #map}, {transform_indices = #map1}, {transform_indices = #map1}]} {
    %mul3A = arith.constant 2 : i32
    %mul3A_0 = arith.muli %arg1, %mul3A : i32
    %add3A = arith.addi %mul3A_0, %arg0 : i32
    %mul3A_1 = arith.constant 512 : i32
    %mul3A_2 = arith.muli %add3A, %mul3A_1 : i32
    "tpu.region"() ({
      %run_scoped3A = tpu.sem_alloc : memref<!tpu.dma_semaphore, #tpu.memory_space<semaphore_mem>>
      %dma_start3A = tpu.memref_slice %arg2[%mul3A_2] : memref<16384xi32, #tpu.memory_space<hbm>> -> memref<512xi32, #tpu.memory_space<hbm>>
      %dma_start3A_13 = tpu.memref_slice %arg2[%mul3A_2] : memref<16384xi32, #tpu.memory_space<hbm>> -> memref<512xi32, #tpu.memory_space<hbm>>
      tpu.enqueue_dma source(%dma_start3A_13 : memref<512xi32, #tpu.memory_space<hbm>>) target(%arg6 : memref<512xi32, #tpu.memory_space<vmem>>) target_semaphore(%run_scoped3A : memref<!tpu.dma_semaphore, #tpu.memory_space<semaphore_mem>>)
      %dma_wait3A_14 = tpu.memref_slice %arg2[%mul3A_2] : memref<16384xi32, #tpu.memory_space<hbm>> -> memref<512xi32, #tpu.memory_space<hbm>>
      %dma_wait3A_15 = tpu.memref_slice %arg2[%mul3A_2] : memref<16384xi32, #tpu.memory_space<hbm>> -> memref<512xi32, #tpu.memory_space<hbm>>
      tpu.wait_dma2 semaphore(%run_scoped3A : memref<!tpu.dma_semaphore, #tpu.memory_space<semaphore_mem>>) src(%dma_wait3A_15 : memref<512xi32, #tpu.memory_space<hbm>>) dst(%arg6 : memref<512xi32, #tpu.memory_space<vmem>>)
      tpu.yield
    }) : () -> ()
    "tpu.region"() ({
      %run_scoped3A = tpu.sem_alloc : memref<!tpu.dma_semaphore, #tpu.memory_space<semaphore_mem>>
      %dma_start3A = tpu.memref_slice %arg3[%mul3A_2] : memref<16384xi32, #tpu.memory_space<hbm>> -> memref<512xi32, #tpu.memory_space<hbm>>
      %dma_start3A_13 = tpu.memref_slice %arg3[%mul3A_2] : memref<16384xi32, #tpu.memory_space<hbm>> -> memref<512xi32, #tpu.memory_space<hbm>>
      tpu.enqueue_dma source(%dma_start3A_13 : memref<512xi32, #tpu.memory_space<hbm>>) target(%arg7 : memref<512xi32, #tpu.memory_space<vmem>>) target_semaphore(%run_scoped3A : memref<!tpu.dma_semaphore, #tpu.memory_space<semaphore_mem>>)
      %dma_wait3A_14 = tpu.memref_slice %arg3[%mul3A_2] : memref<16384xi32, #tpu.memory_space<hbm>> -> memref<512xi32, #tpu.memory_space<hbm>>
      %dma_wait3A_15 = tpu.memref_slice %arg3[%mul3A_2] : memref<16384xi32, #tpu.memory_space<hbm>> -> memref<512xi32, #tpu.memory_space<hbm>>
      tpu.wait_dma2 semaphore(%run_scoped3A : memref<!tpu.dma_semaphore, #tpu.memory_space<semaphore_mem>>) src(%dma_wait3A_15 : memref<512xi32, #tpu.memory_space<hbm>>) dst(%arg7 : memref<512xi32, #tpu.memory_space<vmem>>)
      tpu.yield
    }) : () -> ()
    %scan3A = arith.constant 0 : i32
    %scan3A_3 = arith.constant 0 : i32
    %scan3A_4 = arith.constant 32 : i32
    %scan3A_5 = arith.addi %scan3A_3, %scan3A_4 : i32
    %scan3A_6 = arith.constant 1 : i32
    scf.for %scan3A_13 = %scan3A_3 to %scan3A_5 step %scan3A_6  : i32 {
      %mul3A_14 = arith.constant 16 : i32
      %mul3A_15 = arith.muli %scan3A_13, %mul3A_14 : i32
      %get3A = arith.index_cast %mul3A_15 : i32 to index
      %get3A_16 = tpu.vector_load %arg6[%get3A] {strides = array<i32>} : memref<512xi32, #tpu.memory_space<vmem>>, vector<16xi32>,
      %get3A_17 = vector.shape_cast %get3A_16 : vector<16xi32> to vector<16xi32>
      %get3A_18 = arith.index_cast %mul3A_15 : i32 to index
      %get3A_19 = tpu.vector_load %arg7[%get3A_18] {strides = array<i32>} : memref<512xi32, #tpu.memory_space<vmem>>, vector<16xi32>,
      %get3A_20 = vector.shape_cast %get3A_19 : vector<16xi32> to vector<16xi32>
      %eq3A = arith.constant 1 : i32
      %eq3A_21 = vector.broadcast %eq3A : i32 to vector<16xi32>
      %eq3A_22 = arith.cmpi eq, %get3A_20, %eq3A_21 : vector<16xi32>
      %jit3A = arith.constant 100000 : i32
      %broadcast_in_dim3A = vector.broadcast %jit3A : i32 to vector<16xi32>
      %select_n3A = arith.select %eq3A_22, %broadcast_in_dim3A, %get3A_17 : vector<16xi1>, vector<16xi32>
      %slice3A = vector.extract_strided_slice %select_n3A {offsets = [0], sizes = [1], strides = [1]} : vector<16xi32> to vector<1xi32>
      %squeeze3A = vector.extract %slice3A[0] : i32 from vector<1xi32>
      %mul3A_23 = arith.constant 16 : i32
      %mul3A_24 = arith.muli %scan3A_13, %mul3A_23 : i32
      %add3A_25 = arith.constant 0 : i32
      %add3A_26 = arith.addi %mul3A_24, %add3A_25 : i32
      %dma_start3A = arith.constant 0 : i32
      %dma_start3A_27 = tpu.memref_slice %arg8[%add3A_26, %dma_start3A] : memref<512x64xf32, #tpu.memory_space<vmem>> -> memref<1x64xf32, #tpu.memory_space<vmem>>
      %dma_start3A_28 = tpu.memref_squeeze %dma_start3A_27 : memref<1x64xf32, #tpu.memory_space<vmem>> -> memref<64xf32, #tpu.memory_space<vmem>>
      %dma_start3A_29 = arith.constant 0 : i32
      %dma_start3A_30 = tpu.memref_slice %arg4[%squeeze3A, %dma_start3A_29] : memref<100001x64xf32, #tpu.memory_space<hbm>> -> memref<1x64xf32, #tpu.memory_space<hbm>>
      %dma_start3A_31 = tpu.memref_squeeze %dma_start3A_30 : memref<1x64xf32, #tpu.memory_space<hbm>> -> memref<64xf32, #tpu.memory_space<hbm>>
      %dma_start3A_32 = arith.constant 0 : i32
      %dma_start3A_33 = tpu.memref_slice %arg8[%add3A_26, %dma_start3A_32] : memref<512x64xf32, #tpu.memory_space<vmem>> -> memref<1x64xf32, #tpu.memory_space<vmem>>
      %dma_start3A_34 = tpu.memref_squeeze %dma_start3A_33 : memref<1x64xf32, #tpu.memory_space<vmem>> -> memref<64xf32, #tpu.memory_space<vmem>>
      %dma_start3A_35 = arith.constant 0 : i32
      %dma_start3A_36 = tpu.memref_slice %arg4[%squeeze3A, %dma_start3A_35] : memref<100001x64xf32, #tpu.memory_space<hbm>> -> memref<1x64xf32, #tpu.memory_space<hbm>>
      %dma_start3A_37 = tpu.memref_squeeze %dma_start3A_36 : memref<1x64xf32, #tpu.memory_space<hbm>> -> memref<64xf32, #tpu.memory_space<hbm>>
      tpu.enqueue_dma source(%dma_start3A_37 : memref<64xf32, #tpu.memory_space<hbm>>) target(%dma_start3A_34 : memref<64xf32, #tpu.memory_space<vmem>>) target_semaphore(%arg9 : memref<!tpu.dma_semaphore, #tpu.memory_space<semaphore_mem>>)
      %slice3A_38 = vector.extract_strided_slice %select_n3A {offsets = [1], sizes = [1], strides = [1]} : vector<16xi32> to vector<1xi32>
      %squeeze3A_39 = vector.extract %slice3A_38[0] : i32 from vector<1xi32>
      %mul3A_40 = arith.constant 16 : i32
      %mul3A_41 = arith.muli %scan3A_13, %mul3A_40 : i32
      %add3A_42 = arith.constant 1 : i32
      %add3A_43 = arith.addi %mul3A_41, %add3A_42 : i32
      %dma_start3A_44 = arith.constant 0 : i32
      %dma_start3A_45 = tpu.memref_slice %arg8[%add3A_43, %dma_start3A_44] : memref<512x64xf32, #tpu.memory_space<vmem>> -> memref<1x64xf32, #tpu.memory_space<vmem>>
      %dma_start3A_46 = tpu.memref_squeeze %dma_start3A_45 : memref<1x64xf32, #tpu.memory_space<vmem>> -> memref<64xf32, #tpu.memory_space<vmem>>
      %dma_start3A_47 = arith.constant 0 : i32
      %dma_start3A_48 = tpu.memref_slice %arg4[%squeeze3A_39, %dma_start3A_47] : memref<100001x64xf32, #tpu.memory_space<hbm>> -> memref<1x64xf32, #tpu.memory_space<hbm>>
      %dma_start3A_49 = tpu.memref_squeeze %dma_start3A_48 : memref<1x64xf32, #tpu.memory_space<hbm>> -> memref<64xf32, #tpu.memory_space<hbm>>
      %dma_start3A_50 = arith.constant 0 : i32
      %dma_start3A_51 = tpu.memref_slice %arg8[%add3A_43, %dma_start3A_50] : memref<512x64xf32, #tpu.memory_space<vmem>> -> memref<1x64xf32, #tpu.memory_space<vmem>>
      %dma_start3A_52 = tpu.memref_squeeze %dma_start3A_51 : memref<1x64xf32, #tpu.memory_space<vmem>> -> memref<64xf32, #tpu.memory_space<vmem>>
      %dma_start3A_53 = arith.constant 0 : i32
      %dma_start3A_54 = tpu.memref_slice %arg4[%squeeze3A_39, %dma_start3A_53] : memref<100001x64xf32, #tpu.memory_space<hbm>> -> memref<1x64xf32, #tpu.memory_space<hbm>>
      %dma_start3A_55 = tpu.memref_squeeze %dma_start3A_54 : memref<1x64xf32, #tpu.memory_space<hbm>> -> memref<64xf32, #tpu.memory_space<hbm>>
      tpu.enqueue_dma source(%dma_start3A_55 : memref<64xf32, #tpu.memory_space<hbm>>) target(%dma_start3A_52 : memref<64xf32, #tpu.memory_space<vmem>>) target_semaphore(%arg9 : memref<!tpu.dma_semaphore, #tpu.memory_space<semaphore_mem>>)
      %slice3A_56 = vector.extract_strided_slice %select_n3A {offsets = [2], sizes = [1], strides = [1]} : vector<16xi32> to vector<1xi32>
      %squeeze3A_57 = vector.extract %slice3A_56[0] : i32 from vector<1xi32>
      %mul3A_58 = arith.constant 16 : i32
      %mul3A_59 = arith.muli %scan3A_13, %mul3A_58 : i32
      %add3A_60 = arith.constant 2 : i32
      %add3A_61 = arith.addi %mul3A_59, %add3A_60 : i32
      %dma_start3A_62 = arith.constant 0 : i32
      %dma_start3A_63 = tpu.memref_slice %arg8[%add3A_61, %dma_start3A_62] : memref<512x64xf32, #tpu.memory_space<vmem>> -> memref<1x64xf32, #tpu.memory_space<vmem>>
      %dma_start3A_64 = tpu.memref_squeeze %dma_start3A_63 : memref<1x64xf32, #tpu.memory_space<vmem>> -> memref<64xf32, #tpu.memory_space<vmem>>
      %dma_start3A_65 = arith.constant 0 : i32
      %dma_start3A_66 = tpu.memref_slice %arg4[%squeeze3A_57, %dma_start3A_65] : memref<100001x64xf32, #tpu.memory_space<hbm>> -> memref<1x64xf32, #tpu.memory_space<hbm>>
      %dma_start3A_67 = tpu.memref_squeeze %dma_start3A_66 : memref<1x64xf32, #tpu.memory_space<hbm>> -> memref<64xf32, #tpu.memory_space<hbm>>
      %dma_start3A_68 = arith.constant 0 : i32
      %dma_start3A_69 = tpu.memref_slice %arg8[%add3A_61, %dma_start3A_68] : memref<512x64xf32, #tpu.memory_space<vmem>> -> memref<1x64xf32, #tpu.memory_space<vmem>>
      %dma_start3A_70 = tpu.memref_squeeze %dma_start3A_69 : memref<1x64xf32, #tpu.memory_space<vmem>> -> memref<64xf32, #tpu.memory_space<vmem>>
      %dma_start3A_71 = arith.constant 0 : i32
      %dma_start3A_72 = tpu.memref_slice %arg4[%squeeze3A_57, %dma_start3A_71] : memref<100001x64xf32, #tpu.memory_space<hbm>> -> memref<1x64xf32, #tpu.memory_space<hbm>>
      %dma_start3A_73 = tpu.memref_squeeze %dma_start3A_72 : memref<1x64xf32, #tpu.memory_space<hbm>> -> memref<64xf32, #tpu.memory_space<hbm>>
      tpu.enqueue_dma source(%dma_start3A_73 : memref<64xf32, #tpu.memory_space<hbm>>) target(%dma_start3A_70 : memref<64xf32, #tpu.memory_space<vmem>>) target_semaphore(%arg9 : memref<!tpu.dma_semaphore, #tpu.memory_space<semaphore_mem>>)
      %slice3A_74 = vector.extract_strided_slice %select_n3A {offsets = [3], sizes = [1], strides = [1]} : vector<16xi32> to vector<1xi32>
      %squeeze3A_75 = vector.extract %slice3A_74[0] : i32 from vector<1xi32>
      %mul3A_76 = arith.constant 16 : i32
      %mul3A_77 = arith.muli %scan3A_13, %mul3A_76 : i32
      %add3A_78 = arith.constant 3 : i32
      %add3A_79 = arith.addi %mul3A_77, %add3A_78 : i32
      %dma_start3A_80 = arith.constant 0 : i32
      %dma_start3A_81 = tpu.memref_slice %arg8[%add3A_79, %dma_start3A_80] : memref<512x64xf32, #tpu.memory_space<vmem>> -> memref<1x64xf32, #tpu.memory_space<vmem>>
      %dma_start3A_82 = tpu.memref_squeeze %dma_start3A_81 : memref<1x64xf32, #tpu.memory_space<vmem>> -> memref<64xf32, #tpu.memory_space<vmem>>
      %dma_start3A_83 = arith.constant 0 : i32
      %dma_start3A_84 = tpu.memref_slice %arg4[%squeeze3A_75, %dma_start3A_83] : memref<100001x64xf32, #tpu.memory_space<hbm>> -> memref<1x64xf32, #tpu.memory_space<hbm>>
      %dma_start3A_85 = tpu.memref_squeeze %dma_start3A_84 : memref<1x64xf32, #tpu.memory_space<hbm>> -> memref<64xf32, #tpu.memory_space<hbm>>
      %dma_start3A_86 = arith.constant 0 : i32
      %dma_start3A_87 = tpu.memref_slice %arg8[%add3A_79, %dma_start3A_86] : memref<512x64xf32, #tpu.memory_space<vmem>> -> memref<1x64xf32, #tpu.memory_space<vmem>>
      %dma_start3A_88 = tpu.memref_squeeze %dma_start3A_87 : memref<1x64xf32, #tpu.memory_space<vmem>> -> memref<64xf32, #tpu.memory_space<vmem>>
      %dma_start3A_89 = arith.constant 0 : i32
      %dma_start3A_90 = tpu.memref_slice %arg4[%squeeze3A_75, %dma_start3A_89] : memref<100001x64xf32, #tpu.memory_space<hbm>> -> memref<1x64xf32, #tpu.memory_space<hbm>>
      %dma_start3A_91 = tpu.memref_squeeze %dma_start3A_90 : memref<1x64xf32, #tpu.memory_space<hbm>> -> memref<64xf32, #tpu.memory_space<hbm>>
      tpu.enqueue_dma source(%dma_start3A_91 : memref<64xf32, #tpu.memory_space<hbm>>) target(%dma_start3A_88 : memref<64xf32, #tpu.memory_space<vmem>>) target_semaphore(%arg9 : memref<!tpu.dma_semaphore, #tpu.memory_space<semaphore_mem>>)
      %slice3A_92 = vector.extract_strided_slice %select_n3A {offsets = [4], sizes = [1], strides = [1]} : vector<16xi32> to vector<1xi32>
      %squeeze3A_93 = vector.extract %slice3A_92[0] : i32 from vector<1xi32>
      %mul3A_94 = arith.constant 16 : i32
      %mul3A_95 = arith.muli %scan3A_13, %mul3A_94 : i32
      %add3A_96 = arith.constant 4 : i32
      %add3A_97 = arith.addi %mul3A_95, %add3A_96 : i32
      %dma_start3A_98 = arith.constant 0 : i32
      %dma_start3A_99 = tpu.memref_slice %arg8[%add3A_97, %dma_start3A_98] : memref<512x64xf32, #tpu.memory_space<vmem>> -> memref<1x64xf32, #tpu.memory_space<vmem>>
      %dma_start3A_100 = tpu.memref_squeeze %dma_start3A_99 : memref<1x64xf32, #tpu.memory_space<vmem>> -> memref<64xf32, #tpu.memory_space<vmem>>
      %dma_start3A_101 = arith.constant 0 : i32
      %dma_start3A_102 = tpu.memref_slice %arg4[%squeeze3A_93, %dma_start3A_101] : memref<100001x64xf32, #tpu.memory_space<hbm>> -> memref<1x64xf32, #tpu.memory_space<hbm>>
      %dma_start3A_103 = tpu.memref_squeeze %dma_start3A_102 : memref<1x64xf32, #tpu.memory_space<hbm>> -> memref<64xf32, #tpu.memory_space<hbm>>
      %dma_start3A_104 = arith.constant 0 : i32
      %dma_start3A_105 = tpu.memref_slice %arg8[%add3A_97, %dma_start3A_104] : memref<512x64xf32, #tpu.memory_space<vmem>> -> memref<1x64xf32, #tpu.memory_space<vmem>>
      %dma_start3A_106 = tpu.memref_squeeze %dma_start3A_105 : memref<1x64xf32, #tpu.memory_space<vmem>> -> memref<64xf32, #tpu.memory_space<vmem>>
      %dma_start3A_107 = arith.constant 0 : i32
      %dma_start3A_108 = tpu.memref_slice %arg4[%squeeze3A_93, %dma_start3A_107] : memref<100001x64xf32, #tpu.memory_space<hbm>> -> memref<1x64xf32, #tpu.memory_space<hbm>>
      %dma_start3A_109 = tpu.memref_squeeze %dma_start3A_108 : memref<1x64xf32, #tpu.memory_space<hbm>> -> memref<64xf32, #tpu.memory_space<hbm>>
      tpu.enqueue_dma source(%dma_start3A_109 : memref<64xf32, #tpu.memory_space<hbm>>) target(%dma_start3A_106 : memref<64xf32, #tpu.memory_space<vmem>>) target_semaphore(%arg9 : memref<!tpu.dma_semaphore, #tpu.memory_space<semaphore_mem>>)
      %slice3A_110 = vector.extract_strided_slice %select_n3A {offsets = [5], sizes = [1], strides = [1]} : vector<16xi32> to vector<1xi32>
      %squeeze3A_111 = vector.extract %slice3A_110[0] : i32 from vector<1xi32>
      %mul3A_112 = arith.constant 16 : i32
      %mul3A_113 = arith.muli %scan3A_13, %mul3A_112 : i32
      %add3A_114 = arith.constant 5 : i32
      %add3A_115 = arith.addi %mul3A_113, %add3A_114 : i32
      %dma_start3A_116 = arith.constant 0 : i32
      %dma_start3A_117 = tpu.memref_slice %arg8[%add3A_115, %dma_start3A_116] : memref<512x64xf32, #tpu.memory_space<vmem>> -> memref<1x64xf32, #tpu.memory_space<vmem>>
      %dma_start3A_118 = tpu.memref_squeeze %dma_start3A_117 : memref<1x64xf32, #tpu.memory_space<vmem>> -> memref<64xf32, #tpu.memory_space<vmem>>
      %dma_start3A_119 = arith.constant 0 : i32
      %dma_start3A_120 = tpu.memref_slice %arg4[%squeeze3A_111, %dma_start3A_119] : memref<100001x64xf32, #tpu.memory_space<hbm>> -> memref<1x64xf32, #tpu.memory_space<hbm>>
      %dma_start3A_121 = tpu.memref_squeeze %dma_start3A_120 : memref<1x64xf32, #tpu.memory_space<hbm>> -> memref<64xf32, #tpu.memory_space<hbm>>
      %dma_start3A_122 = arith.constant 0 : i32
      %dma_start3A_123 = tpu.memref_slice %arg8[%add3A_115, %dma_start3A_122] : memref<512x64xf32, #tpu.memory_space<vmem>> -> memref<1x64xf32, #tpu.memory_space<vmem>>
      %dma_start3A_124 = tpu.memref_squeeze %dma_start3A_123 : memref<1x64xf32, #tpu.memory_space<vmem>> -> memref<64xf32, #tpu.memory_space<vmem>>
      %dma_start3A_125 = arith.constant 0 : i32
      %dma_start3A_126 = tpu.memref_slice %arg4[%squeeze3A_111, %dma_start3A_125] : memref<100001x64xf32, #tpu.memory_space<hbm>> -> memref<1x64xf32, #tpu.memory_space<hbm>>
      %dma_start3A_127 = tpu.memref_squeeze %dma_start3A_126 : memref<1x64xf32, #tpu.memory_space<hbm>> -> memref<64xf32, #tpu.memory_space<hbm>>
      tpu.enqueue_dma source(%dma_start3A_127 : memref<64xf32, #tpu.memory_space<hbm>>) target(%dma_start3A_124 : memref<64xf32, #tpu.memory_space<vmem>>) target_semaphore(%arg9 : memref<!tpu.dma_semaphore, #tpu.memory_space<semaphore_mem>>)
      %slice3A_128 = vector.extract_strided_slice %select_n3A {offsets = [6], sizes = [1], strides = [1]} : vector<16xi32> to vector<1xi32>
      %squeeze3A_129 = vector.extract %slice3A_128[0] : i32 from vector<1xi32>
      %mul3A_130 = arith.constant 16 : i32
      %mul3A_131 = arith.muli %scan3A_13, %mul3A_130 : i32
      %add3A_132 = arith.constant 6 : i32
      %add3A_133 = arith.addi %mul3A_131, %add3A_132 : i32
      %dma_start3A_134 = arith.constant 0 : i32
      %dma_start3A_135 = tpu.memref_slice %arg8[%add3A_133, %dma_start3A_134] : memref<512x64xf32, #tpu.memory_space<vmem>> -> memref<1x64xf32, #tpu.memory_space<vmem>>
      %dma_start3A_136 = tpu.memref_squeeze %dma_start3A_135 : memref<1x64xf32, #tpu.memory_space<vmem>> -> memref<64xf32, #tpu.memory_space<vmem>>
      %dma_start3A_137 = arith.constant 0 : i32
      %dma_start3A_138 = tpu.memref_slice %arg4[%squeeze3A_129, %dma_start3A_137] : memref<100001x64xf32, #tpu.memory_space<hbm>> -> memref<1x64xf32, #tpu.memory_space<hbm>>
      %dma_start3A_139 = tpu.memref_squeeze %dma_start3A_138 : memref<1x64xf32, #tpu.memory_space<hbm>> -> memref<64xf32, #tpu.memory_space<hbm>>
      %dma_start3A_140 = arith.constant 0 : i32
      %dma_start3A_141 = tpu.memref_slice %arg8[%add3A_133, %dma_start3A_140] : memref<512x64xf32, #tpu.memory_space<vmem>> -> memref<1x64xf32, #tpu.memory_space<vmem>>
      %dma_start3A_142 = tpu.memref_squeeze %dma_start3A_141 : memref<1x64xf32, #tpu.memory_space<vmem>> -> memref<64xf32, #tpu.memory_space<vmem>>
      %dma_start3A_143 = arith.constant 0 : i32
      %dma_start3A_144 = tpu.memref_slice %arg4[%squeeze3A_129, %dma_start3A_143] : memref<100001x64xf32, #tpu.memory_space<hbm>> -> memref<1x64xf32, #tpu.memory_space<hbm>>
      %dma_start3A_145 = tpu.memref_squeeze %dma_start3A_144 : memref<1x64xf32, #tpu.memory_space<hbm>> -> memref<64xf32, #tpu.memory_space<hbm>>
      tpu.enqueue_dma source(%dma_start3A_145 : memref<64xf32, #tpu.memory_space<hbm>>) target(%dma_start3A_142 : memref<64xf32, #tpu.memory_space<vmem>>) target_semaphore(%arg9 : memref<!tpu.dma_semaphore, #tpu.memory_space<semaphore_mem>>)
      %slice3A_146 = vector.extract_strided_slice %select_n3A {offsets = [7], sizes = [1], strides = [1]} : vector<16xi32> to vector<1xi32>
      %squeeze3A_147 = vector.extract %slice3A_146[0] : i32 from vector<1xi32>
      %mul3A_148 = arith.constant 16 : i32
      %mul3A_149 = arith.muli %scan3A_13, %mul3A_148 : i32
      %add3A_150 = arith.constant 7 : i32
      %add3A_151 = arith.addi %mul3A_149, %add3A_150 : i32
      %dma_start3A_152 = arith.constant 0 : i32
      %dma_start3A_153 = tpu.memref_slice %arg8[%add3A_151, %dma_start3A_152] : memref<512x64xf32, #tpu.memory_space<vmem>> -> memref<1x64xf32, #tpu.memory_space<vmem>>
      %dma_start3A_154 = tpu.memref_squeeze %dma_start3A_153 : memref<1x64xf32, #tpu.memory_space<vmem>> -> memref<64xf32, #tpu.memory_space<vmem>>
      %dma_start3A_155 = arith.constant 0 : i32
      %dma_start3A_156 = tpu.memref_slice %arg4[%squeeze3A_147, %dma_start3A_155] : memref<100001x64xf32, #tpu.memory_space<hbm>> -> memref<1x64xf32, #tpu.memory_space<hbm>>
      %dma_start3A_157 = tpu.memref_squeeze %dma_start3A_156 : memref<1x64xf32, #tpu.memory_space<hbm>> -> memref<64xf32, #tpu.memory_space<hbm>>
      %dma_start3A_158 = arith.constant 0 : i32
      %dma_start3A_159 = tpu.memref_slice %arg8[%add3A_151, %dma_start3A_158] : memref<512x64xf32, #tpu.memory_space<vmem>> -> memref<1x64xf32, #tpu.memory_space<vmem>>
      %dma_start3A_160 = tpu.memref_squeeze %dma_start3A_159 : memref<1x64xf32, #tpu.memory_space<vmem>> -> memref<64xf32, #tpu.memory_space<vmem>>
      %dma_start3A_161 = arith.constant 0 : i32
      %dma_start3A_162 = tpu.memref_slice %arg4[%squeeze3A_147, %dma_start3A_161] : memref<100001x64xf32, #tpu.memory_space<hbm>> -> memref<1x64xf32, #tpu.memory_space<hbm>>
      %dma_start3A_163 = tpu.memref_squeeze %dma_start3A_162 : memref<1x64xf32, #tpu.memory_space<hbm>> -> memref<64xf32, #tpu.memory_space<hbm>>
      tpu.enqueue_dma source(%dma_start3A_163 : memref<64xf32, #tpu.memory_space<hbm>>) target(%dma_start3A_160 : memref<64xf32, #tpu.memory_space<vmem>>) target_semaphore(%arg9 : memref<!tpu.dma_semaphore, #tpu.memory_space<semaphore_mem>>)
      %slice3A_164 = vector.extract_strided_slice %select_n3A {offsets = [8], sizes = [1], strides = [1]} : vector<16xi32> to vector<1xi32>
      %squeeze3A_165 = vector.extract %slice3A_164[0] : i32 from vector<1xi32>
      %mul3A_166 = arith.constant 16 : i32
      %mul3A_167 = arith.muli %scan3A_13, %mul3A_166 : i32
      %add3A_168 = arith.constant 8 : i32
      %add3A_169 = arith.addi %mul3A_167, %add3A_168 : i32
      %dma_start3A_170 = arith.constant 0 : i32
      %dma_start3A_171 = tpu.memref_slice %arg8[%add3A_169, %dma_start3A_170] : memref<512x64xf32, #tpu.memory_space<vmem>> -> memref<1x64xf32, #tpu.memory_space<vmem>>
      %dma_start3A_172 = tpu.memref_squeeze %dma_start3A_171 : memref<1x64xf32, #tpu.memory_space<vmem>> -> memref<64xf32, #tpu.memory_space<vmem>>
      %dma_start3A_173 = arith.constant 0 : i32
      %dma_start3A_174 = tpu.memref_slice %arg4[%squeeze3A_165, %dma_start3A_173] : memref<100001x64xf32, #tpu.memory_space<hbm>> -> memref<1x64xf32, #tpu.memory_space<hbm>>
      %dma_start3A_175 = tpu.memref_squeeze %dma_start3A_174 : memref<1x64xf32, #tpu.memory_space<hbm>> -> memref<64xf32, #tpu.memory_space<hbm>>
      %dma_start3A_176 = arith.constant 0 : i32
      %dma_start3A_177 = tpu.memref_slice %arg8[%add3A_169, %dma_start3A_176] : memref<512x64xf32, #tpu.memory_space<vmem>> -> memref<1x64xf32, #tpu.memory_space<vmem>>
      %dma_start3A_178 = tpu.memref_squeeze %dma_start3A_177 : memref<1x64xf32, #tpu.memory_space<vmem>> -> memref<64xf32, #tpu.memory_space<vmem>>
      %dma_start3A_179 = arith.constant 0 : i32
      %dma_start3A_180 = tpu.memref_slice %arg4[%squeeze3A_165, %dma_start3A_179] : memref<100001x64xf32, #tpu.memory_space<hbm>> -> memref<1x64xf32, #tpu.memory_space<hbm>>
      %dma_start3A_181 = tpu.memref_squeeze %dma_start3A_180 : memref<1x64xf32, #tpu.memory_space<hbm>> -> memref<64xf32, #tpu.memory_space<hbm>>
      tpu.enqueue_dma source(%dma_start3A_181 : memref<64xf32, #tpu.memory_space<hbm>>) target(%dma_start3A_178 : memref<64xf32, #tpu.memory_space<vmem>>) target_semaphore(%arg9 : memref<!tpu.dma_semaphore, #tpu.memory_space<semaphore_mem>>)
      %slice3A_182 = vector.extract_strided_slice %select_n3A {offsets = [9], sizes = [1], strides = [1]} : vector<16xi32> to vector<1xi32>
      %squeeze3A_183 = vector.extract %slice3A_182[0] : i32 from vector<1xi32>
      %mul3A_184 = arith.constant 16 : i32
      %mul3A_185 = arith.muli %scan3A_13, %mul3A_184 : i32
      %add3A_186 = arith.constant 9 : i32
      %add3A_187 = arith.addi %mul3A_185, %add3A_186 : i32
      %dma_start3A_188 = arith.constant 0 : i32
      %dma_start3A_189 = tpu.memref_slice %arg8[%add3A_187, %dma_start3A_188] : memref<512x64xf32, #tpu.memory_space<vmem>> -> memref<1x64xf32, #tpu.memory_space<vmem>>
      %dma_start3A_190 = tpu.memref_squeeze %dma_start3A_189 : memref<1x64xf32, #tpu.memory_space<vmem>> -> memref<64xf32, #tpu.memory_space<vmem>>
      %dma_start3A_191 = arith.constant 0 : i32
      %dma_start3A_192 = tpu.memref_slice %arg4[%squeeze3A_183, %dma_start3A_191] : memref<100001x64xf32, #tpu.memory_space<hbm>> -> memref<1x64xf32, #tpu.memory_space<hbm>>
      %dma_start3A_193 = tpu.memref_squeeze %dma_start3A_192 : memref<1x64xf32, #tpu.memory_space<hbm>> -> memref<64xf32, #tpu.memory_space<hbm>>
      %dma_start3A_194 = arith.constant 0 : i32
      %dma_start3A_195 = tpu.memref_slice %arg8[%add3A_187, %dma_start3A_194] : memref<512x64xf32, #tpu.memory_space<vmem>> -> memref<1x64xf32, #tpu.memory_space<vmem>>
      %dma_start3A_196 = tpu.memref_squeeze %dma_start3A_195 : memref<1x64xf32, #tpu.memory_space<vmem>> -> memref<64xf32, #tpu.memory_space<vmem>>
      %dma_start3A_197 = arith.constant 0 : i32
      %dma_start3A_198 = tpu.memref_slice %arg4[%squeeze3A_183, %dma_start3A_197] : memref<100001x64xf32, #tpu.memory_space<hbm>> -> memref<1x64xf32, #tpu.memory_space<hbm>>
      %dma_start3A_199 = tpu.memref_squeeze %dma_start3A_198 : memref<1x64xf32, #tpu.memory_space<hbm>> -> memref<64xf32, #tpu.memory_space<hbm>>
      tpu.enqueue_dma source(%dma_start3A_199 : memref<64xf32, #tpu.memory_space<hbm>>) target(%dma_start3A_196 : memref<64xf32, #tpu.memory_space<vmem>>) target_semaphore(%arg9 : memref<!tpu.dma_semaphore, #tpu.memory_space<semaphore_mem>>)
      %slice3A_200 = vector.extract_strided_slice %select_n3A {offsets = [10], sizes = [1], strides = [1]} : vector<16xi32> to vector<1xi32>
      %squeeze3A_201 = vector.extract %slice3A_200[0] : i32 from vector<1xi32>
      %mul3A_202 = arith.constant 16 : i32
      %mul3A_203 = arith.muli %scan3A_13, %mul3A_202 : i32
      %add3A_204 = arith.constant 10 : i32
      %add3A_205 = arith.addi %mul3A_203, %add3A_204 : i32
      %dma_start3A_206 = arith.constant 0 : i32
      %dma_start3A_207 = tpu.memref_slice %arg8[%add3A_205, %dma_start3A_206] : memref<512x64xf32, #tpu.memory_space<vmem>> -> memref<1x64xf32, #tpu.memory_space<vmem>>
      %dma_start3A_208 = tpu.memref_squeeze %dma_start3A_207 : memref<1x64xf32, #tpu.memory_space<vmem>> -> memref<64xf32, #tpu.memory_space<vmem>>
      %dma_start3A_209 = arith.constant 0 : i32
      %dma_start3A_210 = tpu.memref_slice %arg4[%squeeze3A_201, %dma_start3A_209] : memref<100001x64xf32, #tpu.memory_space<hbm>> -> memref<1x64xf32, #tpu.memory_space<hbm>>
      %dma_start3A_211 = tpu.memref_squeeze %dma_start3A_210 : memref<1x64xf32, #tpu.memory_space<hbm>> -> memref<64xf32, #tpu.memory_space<hbm>>
      %dma_start3A_212 = arith.constant 0 : i32
      %dma_start3A_213 = tpu.memref_slice %arg8[%add3A_205, %dma_start3A_212] : memref<512x64xf32, #tpu.memory_space<vmem>> -> memref<1x64xf32, #tpu.memory_space<vmem>>
      %dma_start3A_214 = tpu.memref_squeeze %dma_start3A_213 : memref<1x64xf32, #tpu.memory_space<vmem>> -> memref<64xf32, #tpu.memory_space<vmem>>
      %dma_start3A_215 = arith.constant 0 : i32
      %dma_start3A_216 = tpu.memref_slice %arg4[%squeeze3A_201, %dma_start3A_215] : memref<100001x64xf32, #tpu.memory_space<hbm>> -> memref<1x64xf32, #tpu.memory_space<hbm>>
      %dma_start3A_217 = tpu.memref_squeeze %dma_start3A_216 : memref<1x64xf32, #tpu.memory_space<hbm>> -> memref<64xf32, #tpu.memory_space<hbm>>
      tpu.enqueue_dma source(%dma_start3A_217 : memref<64xf32, #tpu.memory_space<hbm>>) target(%dma_start3A_214 : memref<64xf32, #tpu.memory_space<vmem>>) target_semaphore(%arg9 : memref<!tpu.dma_semaphore, #tpu.memory_space<semaphore_mem>>)
      %slice3A_218 = vector.extract_strided_slice %select_n3A {offsets = [11], sizes = [1], strides = [1]} : vector<16xi32> to vector<1xi32>
      %squeeze3A_219 = vector.extract %slice3A_218[0] : i32 from vector<1xi32>
      %mul3A_220 = arith.constant 16 : i32
      %mul3A_221 = arith.muli %scan3A_13, %mul3A_220 : i32
      %add3A_222 = arith.constant 11 : i32
      %add3A_223 = arith.addi %mul3A_221, %add3A_222 : i32
      %dma_start3A_224 = arith.constant 0 : i32
      %dma_start3A_225 = tpu.memref_slice %arg8[%add3A_223, %dma_start3A_224] : memref<512x64xf32, #tpu.memory_space<vmem>> -> memref<1x64xf32, #tpu.memory_space<vmem>>
      %dma_start3A_226 = tpu.memref_squeeze %dma_start3A_225 : memref<1x64xf32, #tpu.memory_space<vmem>> -> memref<64xf32, #tpu.memory_space<vmem>>
      %dma_start3A_227 = arith.constant 0 : i32
      %dma_start3A_228 = tpu.memref_slice %arg4[%squeeze3A_219, %dma_start3A_227] : memref<100001x64xf32, #tpu.memory_space<hbm>> -> memref<1x64xf32, #tpu.memory_space<hbm>>
      %dma_start3A_229 = tpu.memref_squeeze %dma_start3A_228 : memref<1x64xf32, #tpu.memory_space<hbm>> -> memref<64xf32, #tpu.memory_space<hbm>>
      %dma_start3A_230 = arith.constant 0 : i32
      %dma_start3A_231 = tpu.memref_slice %arg8[%add3A_223, %dma_start3A_230] : memref<512x64xf32, #tpu.memory_space<vmem>> -> memref<1x64xf32, #tpu.memory_space<vmem>>
      %dma_start3A_232 = tpu.memref_squeeze %dma_start3A_231 : memref<1x64xf32, #tpu.memory_space<vmem>> -> memref<64xf32, #tpu.memory_space<vmem>>
      %dma_start3A_233 = arith.constant 0 : i32
      %dma_start3A_234 = tpu.memref_slice %arg4[%squeeze3A_219, %dma_start3A_233] : memref<100001x64xf32, #tpu.memory_space<hbm>> -> memref<1x64xf32, #tpu.memory_space<hbm>>
      %dma_start3A_235 = tpu.memref_squeeze %dma_start3A_234 : memref<1x64xf32, #tpu.memory_space<hbm>> -> memref<64xf32, #tpu.memory_space<hbm>>
      tpu.enqueue_dma source(%dma_start3A_235 : memref<64xf32, #tpu.memory_space<hbm>>) target(%dma_start3A_232 : memref<64xf32, #tpu.memory_space<vmem>>) target_semaphore(%arg9 : memref<!tpu.dma_semaphore, #tpu.memory_space<semaphore_mem>>)
      %slice3A_236 = vector.extract_strided_slice %select_n3A {offsets = [12], sizes = [1], strides = [1]} : vector<16xi32> to vector<1xi32>
      %squeeze3A_237 = vector.extract %slice3A_236[0] : i32 from vector<1xi32>
      %mul3A_238 = arith.constant 16 : i32
      %mul3A_239 = arith.muli %scan3A_13, %mul3A_238 : i32
      %add3A_240 = arith.constant 12 : i32
      %add3A_241 = arith.addi %mul3A_239, %add3A_240 : i32
      %dma_start3A_242 = arith.constant 0 : i32
      %dma_start3A_243 = tpu.memref_slice %arg8[%add3A_241, %dma_start3A_242] : memref<512x64xf32, #tpu.memory_space<vmem>> -> memref<1x64xf32, #tpu.memory_space<vmem>>
      %dma_start3A_244 = tpu.memref_squeeze %dma_start3A_243 : memref<1x64xf32, #tpu.memory_space<vmem>> -> memref<64xf32, #tpu.memory_space<vmem>>
      %dma_start3A_245 = arith.constant 0 : i32
      %dma_start3A_246 = tpu.memref_slice %arg4[%squeeze3A_237, %dma_start3A_245] : memref<100001x64xf32, #tpu.memory_space<hbm>> -> memref<1x64xf32, #tpu.memory_space<hbm>>
      %dma_start3A_247 = tpu.memref_squeeze %dma_start3A_246 : memref<1x64xf32, #tpu.memory_space<hbm>> -> memref<64xf32, #tpu.memory_space<hbm>>
      %dma_start3A_248 = arith.constant 0 : i32
      %dma_start3A_249 = tpu.memref_slice %arg8[%add3A_241, %dma_start3A_248] : memref<512x64xf32, #tpu.memory_space<vmem>> -> memref<1x64xf32, #tpu.memory_space<vmem>>
      %dma_start3A_250 = tpu.memref_squeeze %dma_start3A_249 : memref<1x64xf32, #tpu.memory_space<vmem>> -> memref<64xf32, #tpu.memory_space<vmem>>
      %dma_start3A_251 = arith.constant 0 : i32
      %dma_start3A_252 = tpu.memref_slice %arg4[%squeeze3A_237, %dma_start3A_251] : memref<100001x64xf32, #tpu.memory_space<hbm>> -> memref<1x64xf32, #tpu.memory_space<hbm>>
      %dma_start3A_253 = tpu.memref_squeeze %dma_start3A_252 : memref<1x64xf32, #tpu.memory_space<hbm>> -> memref<64xf32, #tpu.memory_space<hbm>>
      tpu.enqueue_dma source(%dma_start3A_253 : memref<64xf32, #tpu.memory_space<hbm>>) target(%dma_start3A_250 : memref<64xf32, #tpu.memory_space<vmem>>) target_semaphore(%arg9 : memref<!tpu.dma_semaphore, #tpu.memory_space<semaphore_mem>>)
      %slice3A_254 = vector.extract_strided_slice %select_n3A {offsets = [13], sizes = [1], strides = [1]} : vector<16xi32> to vector<1xi32>
      %squeeze3A_255 = vector.extract %slice3A_254[0] : i32 from vector<1xi32>
      %mul3A_256 = arith.constant 16 : i32
      %mul3A_257 = arith.muli %scan3A_13, %mul3A_256 : i32
      %add3A_258 = arith.constant 13 : i32
      %add3A_259 = arith.addi %mul3A_257, %add3A_258 : i32
      %dma_start3A_260 = arith.constant 0 : i32
      %dma_start3A_261 = tpu.memref_slice %arg8[%add3A_259, %dma_start3A_260] : memref<512x64xf32, #tpu.memory_space<vmem>> -> memref<1x64xf32, #tpu.memory_space<vmem>>
      %dma_start3A_262 = tpu.memref_squeeze %dma_start3A_261 : memref<1x64xf32, #tpu.memory_space<vmem>> -> memref<64xf32, #tpu.memory_space<vmem>>
      %dma_start3A_263 = arith.constant 0 : i32
      %dma_start3A_264 = tpu.memref_slice %arg4[%squeeze3A_255, %dma_start3A_263] : memref<100001x64xf32, #tpu.memory_space<hbm>> -> memref<1x64xf32, #tpu.memory_space<hbm>>
      %dma_start3A_265 = tpu.memref_squeeze %dma_start3A_264 : memref<1x64xf32, #tpu.memory_space<hbm>> -> memref<64xf32, #tpu.memory_space<hbm>>
      %dma_start3A_266 = arith.constant 0 : i32
      %dma_start3A_267 = tpu.memref_slice %arg8[%add3A_259, %dma_start3A_266] : memref<512x64xf32, #tpu.memory_space<vmem>> -> memref<1x64xf32, #tpu.memory_space<vmem>>
      %dma_start3A_268 = tpu.memref_squeeze %dma_start3A_267 : memref<1x64xf32, #tpu.memory_space<vmem>> -> memref<64xf32, #tpu.memory_space<vmem>>
      %dma_start3A_269 = arith.constant 0 : i32
      %dma_start3A_270 = tpu.memref_slice %arg4[%squeeze3A_255, %dma_start3A_269] : memref<100001x64xf32, #tpu.memory_space<hbm>> -> memref<1x64xf32, #tpu.memory_space<hbm>>
      %dma_start3A_271 = tpu.memref_squeeze %dma_start3A_270 : memref<1x64xf32, #tpu.memory_space<hbm>> -> memref<64xf32, #tpu.memory_space<hbm>>
      tpu.enqueue_dma source(%dma_start3A_271 : memref<64xf32, #tpu.memory_space<hbm>>) target(%dma_start3A_268 : memref<64xf32, #tpu.memory_space<vmem>>) target_semaphore(%arg9 : memref<!tpu.dma_semaphore, #tpu.memory_space<semaphore_mem>>)
      %slice3A_272 = vector.extract_strided_slice %select_n3A {offsets = [14], sizes = [1], strides = [1]} : vector<16xi32> to vector<1xi32>
      %squeeze3A_273 = vector.extract %slice3A_272[0] : i32 from vector<1xi32>
      %mul3A_274 = arith.constant 16 : i32
      %mul3A_275 = arith.muli %scan3A_13, %mul3A_274 : i32
      %add3A_276 = arith.constant 14 : i32
      %add3A_277 = arith.addi %mul3A_275, %add3A_276 : i32
      %dma_start3A_278 = arith.constant 0 : i32
      %dma_start3A_279 = tpu.memref_slice %arg8[%add3A_277, %dma_start3A_278] : memref<512x64xf32, #tpu.memory_space<vmem>> -> memref<1x64xf32, #tpu.memory_space<vmem>>
      %dma_start3A_280 = tpu.memref_squeeze %dma_start3A_279 : memref<1x64xf32, #tpu.memory_space<vmem>> -> memref<64xf32, #tpu.memory_space<vmem>>
      %dma_start3A_281 = arith.constant 0 : i32
      %dma_start3A_282 = tpu.memref_slice %arg4[%squeeze3A_273, %dma_start3A_281] : memref<100001x64xf32, #tpu.memory_space<hbm>> -> memref<1x64xf32, #tpu.memory_space<hbm>>
      %dma_start3A_283 = tpu.memref_squeeze %dma_start3A_282 : memref<1x64xf32, #tpu.memory_space<hbm>> -> memref<64xf32, #tpu.memory_space<hbm>>
      %dma_start3A_284 = arith.constant 0 : i32
      %dma_start3A_285 = tpu.memref_slice %arg8[%add3A_277, %dma_start3A_284] : memref<512x64xf32, #tpu.memory_space<vmem>> -> memref<1x64xf32, #tpu.memory_space<vmem>>
      %dma_start3A_286 = tpu.memref_squeeze %dma_start3A_285 : memref<1x64xf32, #tpu.memory_space<vmem>> -> memref<64xf32, #tpu.memory_space<vmem>>
      %dma_start3A_287 = arith.constant 0 : i32
      %dma_start3A_288 = tpu.memref_slice %arg4[%squeeze3A_273, %dma_start3A_287] : memref<100001x64xf32, #tpu.memory_space<hbm>> -> memref<1x64xf32, #tpu.memory_space<hbm>>
      %dma_start3A_289 = tpu.memref_squeeze %dma_start3A_288 : memref<1x64xf32, #tpu.memory_space<hbm>> -> memref<64xf32, #tpu.memory_space<hbm>>
      tpu.enqueue_dma source(%dma_start3A_289 : memref<64xf32, #tpu.memory_space<hbm>>) target(%dma_start3A_286 : memref<64xf32, #tpu.memory_space<vmem>>) target_semaphore(%arg9 : memref<!tpu.dma_semaphore, #tpu.memory_space<semaphore_mem>>)
      %slice3A_290 = vector.extract_strided_slice %select_n3A {offsets = [15], sizes = [1], strides = [1]} : vector<16xi32> to vector<1xi32>
      %squeeze3A_291 = vector.extract %slice3A_290[0] : i32 from vector<1xi32>
      %mul3A_292 = arith.constant 16 : i32
      %mul3A_293 = arith.muli %scan3A_13, %mul3A_292 : i32
      %add3A_294 = arith.constant 15 : i32
      %add3A_295 = arith.addi %mul3A_293, %add3A_294 : i32
      %dma_start3A_296 = arith.constant 0 : i32
      %dma_start3A_297 = tpu.memref_slice %arg8[%add3A_295, %dma_start3A_296] : memref<512x64xf32, #tpu.memory_space<vmem>> -> memref<1x64xf32, #tpu.memory_space<vmem>>
      %dma_start3A_298 = tpu.memref_squeeze %dma_start3A_297 : memref<1x64xf32, #tpu.memory_space<vmem>> -> memref<64xf32, #tpu.memory_space<vmem>>
      %dma_start3A_299 = arith.constant 0 : i32
      %dma_start3A_300 = tpu.memref_slice %arg4[%squeeze3A_291, %dma_start3A_299] : memref<100001x64xf32, #tpu.memory_space<hbm>> -> memref<1x64xf32, #tpu.memory_space<hbm>>
      %dma_start3A_301 = tpu.memref_squeeze %dma_start3A_300 : memref<1x64xf32, #tpu.memory_space<hbm>> -> memref<64xf32, #tpu.memory_space<hbm>>
      %dma_start3A_302 = arith.constant 0 : i32
      %dma_start3A_303 = tpu.memref_slice %arg8[%add3A_295, %dma_start3A_302] : memref<512x64xf32, #tpu.memory_space<vmem>> -> memref<1x64xf32, #tpu.memory_space<vmem>>
      %dma_start3A_304 = tpu.memref_squeeze %dma_start3A_303 : memref<1x64xf32, #tpu.memory_space<vmem>> -> memref<64xf32, #tpu.memory_space<vmem>>
      %dma_start3A_305 = arith.constant 0 : i32
      %dma_start3A_306 = tpu.memref_slice %arg4[%squeeze3A_291, %dma_start3A_305] : memref<100001x64xf32, #tpu.memory_space<hbm>> -> memref<1x64xf32, #tpu.memory_space<hbm>>
      %dma_start3A_307 = tpu.memref_squeeze %dma_start3A_306 : memref<1x64xf32, #tpu.memory_space<hbm>> -> memref<64xf32, #tpu.memory_space<hbm>>
      tpu.enqueue_dma source(%dma_start3A_307 : memref<64xf32, #tpu.memory_space<hbm>>) target(%dma_start3A_304 : memref<64xf32, #tpu.memory_space<vmem>>) target_semaphore(%arg9 : memref<!tpu.dma_semaphore, #tpu.memory_space<semaphore_mem>>)
    }
    %scan3A_7 = arith.constant 32 : i32
    %dma_wait3A = arith.constant 0 : i32
    %dma_wait3A_8 = arith.constant 0 : i32
    %dma_wait3A_9 = tpu.memref_slice %arg4[%dma_wait3A, %dma_wait3A_8] : memref<100001x64xf32, #tpu.memory_space<hbm>> -> memref<512x64xf32, #tpu.memory_space<hbm>>
    %dma_wait3A_10 = arith.constant 0 : i32
    %dma_wait3A_11 = arith.constant 0 : i32
    %dma_wait3A_12 = tpu.memref_slice %arg4[%dma_wait3A_10, %dma_wait3A_11] : memref<100001x64xf32, #tpu.memory_space<hbm>> -> memref<512x64xf32, #tpu.memory_space<hbm>>
    tpu.wait_dma2 semaphore(%arg9 : memref<!tpu.dma_semaphore, #tpu.memory_space<semaphore_mem>>) src(%dma_wait3A_12 : memref<512x64xf32, #tpu.memory_space<hbm>>) dst(%arg8 : memref<512x64xf32, #tpu.memory_space<vmem>>)
    "tpu.region"() ({
      %run_scoped3A = tpu.sem_alloc : memref<!tpu.dma_semaphore, #tpu.memory_space<semaphore_mem>>
      %dma_start3A = arith.constant 0 : i32
      %dma_start3A_13 = tpu.memref_slice %arg5[%mul3A_2, %dma_start3A] : memref<16384x64xf32, #tpu.memory_space<hbm>> -> memref<512x64xf32, #tpu.memory_space<hbm>>
      %dma_start3A_14 = arith.constant 0 : i32
      %dma_start3A_15 = tpu.memref_slice %arg5[%mul3A_2, %dma_start3A_14] : memref<16384x64xf32, #tpu.memory_space<hbm>> -> memref<512x64xf32, #tpu.memory_space<hbm>>
      tpu.enqueue_dma source(%arg8 : memref<512x64xf32, #tpu.memory_space<vmem>>) target(%dma_start3A_15 : memref<512x64xf32, #tpu.memory_space<hbm>>) target_semaphore(%run_scoped3A : memref<!tpu.dma_semaphore, #tpu.memory_space<semaphore_mem>>)
      %dma_wait3A_16 = arith.constant 0 : i32
      %dma_wait3A_17 = tpu.memref_slice %arg5[%mul3A_2, %dma_wait3A_16] : memref<16384x64xf32, #tpu.memory_space<hbm>> -> memref<512x64xf32, #tpu.memory_space<hbm>>
      %dma_wait3A_18 = arith.constant 0 : i32
      %dma_wait3A_19 = tpu.memref_slice %arg5[%mul3A_2, %dma_wait3A_18] : memref<16384x64xf32, #tpu.memory_space<hbm>> -> memref<512x64xf32, #tpu.memory_space<hbm>>
      tpu.wait_dma2 semaphore(%run_scoped3A : memref<!tpu.dma_semaphore, #tpu.memory_space<semaphore_mem>>) src(%arg8 : memref<512x64xf32, #tpu.memory_space<vmem>>) dst(%dma_wait3A_19 : memref<512x64xf32, #tpu.memory_space<hbm>>)
      tpu.yield
    }) : () -> ()
    return
  }
}

</mosaic_0001>

<sc_bundles>
// kernel: kernel.3.cloned.1.call-start
scs
__scs_entry_jumppad:
0x0: {  	(pc) =	sbr.rel $0x88, $3  }
0x1: {  	(tag) =	ssettag $0x0;
	lr =	simm.s32 $0x1  }
0x2: {  	[smem:$0x3F9E] =	sst lr;
	_ =	strace $0xD0000000  }
0x3: {  	_ = 	snop  }
0x4: {  	_ = 	snop  }
0x5: {  	_ = 	snop  }
0x6: {  	_ = 	snop  }
0x7: {  	_ = 	snop  }
__scs_overlays_trampoline_lowered:
0x8: {  	[smem:$0x3FAD] =	sst s0  }
0x9: {  	[smem:$0x3FAE] =	sst s1  }
0xa: {  	[smem:$0x3FAF] =	sst s2  }
0xb: {  	[smem:$0x3FB0] =	sst s3  }
0xc: {  	[smem:$0x3FB1] =	sst s4  }
0xd: {  	[smem:$0x3FB2] =	sst s5  }
0xe: {  	[smem:$0x3FB3] =	sst s6  }
0xf: {  	[smem:$0x3FB4] =	sst s7  }
0x10: {  	[smem:$0x3FB5] =	sst s8  }
0x11: {  	[smem:$0x3FB6] =	sst s9;
	s0 =	simm.s32 @!p0 $0x0  }
0x12: {  	s1 =	sld [smem:$0x3F9C];
	s0 =	simm.s32 @p0 $0x1  }
0x13: {  	[smem:$0x3FB7] =	sst s0;
	s0 =	simm.s32 @!p1 $0x0  }
0x14: {  	s2 =	sld [smem:$0x3F9B];
	s0 =	simm.s32 @p1 $0x1  }
0x15: {  	[smem:$0x3FB8] =	sst s0;
	s0 =	simm.s32 @!p2 $0x0  }
0x16: {  	s3 =	sld [smem:$0x3FDB];
	s0 =	simm.s32 @p2 $0x1  }
0x17: {  	s4 =	simm.s32 $0x1BF5;
	[smem:$0x3FBA] =	sst s0  }
0x18: {  	s0 =	sld [smem:$0x3F9D];
	_ =	swait.ge [sflag:s4], $0x0  }
0x19: {  	s7 =	sld [smem:$0x3F9E]  }
0x1a: {  	s8 =	sadd.s32 $0xFFFFE003, lr  }
0x1b: {  	s9 =	sadd.s32 $0xFFFFFEF7, lr;
	s5 =	simm.s32 $0xFFFFFFFF;
	p2 =	slt.u32 s8, $0xFFFFF086  }
0x1c: {  	p1 =	slt.u32 s9, $0xF7A;
	s5 =	simm.s32 @!p2 $0x0  }
0x1d: {  	s5 =	simm.s32 @p1 $0x1;
	p0 =	seq.s32 s7, s2  }
0x1e: {  	s7 =	smul.u32 @!p0 $0xF7A, s2;
	p2 =	seq.s32 @!p0 s5, $0x0  }
0x1f: {  	s9 =	smul.u32 $0xF7A, s1;
	s8 =	simm.s32 @!p0 $0x1BF5;
	p2 =	por !p2, p0  }
0x20: {  	[sflag:s8] =	ssyncset.s32 @!p0 $0xFFFFF086;
	s6 =	sadd.s32 @!p0 s3, s7;
	s7 =	simm.s32 @!p0 $0x108  }
0x21: {  	s3 =	sadd.s32 s3, s9;
	s6 =	sadd.s32 @!p0 $0x88, s6;
	s7 =	simm.s32 @p2 $0x1082  }
0x22: {  	[simem:s7], [sflag:s8] =	dma.local @!p0 [hbm:s6], $0xF7A  }
0x23: {  	s9 =	sor.u32 $0xD0000000, s2;
	s6 =	simm.s32 $0x108;
	_ =	swait.ge @!p0 [sflag:s8], $0x0  }
0x24: {  	s3 =	sadd.s32 $0x88, s3;
	s6 =	simm.s32 @!p1 $0x1082;
	[sflag:s4] =	ssyncset.s32 $0xFFFFF086  }
0x25: {  	[simem:s6], [sflag:s4] =	dma.local [hbm:s3], $0xF7A  }
0x26: {  	[smem:$0x3F9E] =	sst s1;
	(tag) =	ssettag s2;
	_ =	strace s9  }
0x27: {  	s1 =	sld [smem:$0x3FAE]  }
0x28: {  	s2 =	sld [smem:$0x3FAF]  }
0x29: {  	s4 =	sld [smem:$0x3FB1]  }
0x2a: {  	p0 =	seq.s32 s5, $0x0;
	s5 =	sld [smem:$0x3FB2]  }
0x2b: {  	s6 =	sld [smem:$0x3FB3]  }
0x2c: {  	s7 =	sld [smem:$0x3FB4]  }
0x2d: {  	s3 =	simm.s32 $0x108;
	s8 =	sld [smem:$0x3FB5]  }
0x2e: {  	s3 =	simm.s32 @!p0 $0x1082;
	s9 =	sld [smem:$0x3FB6]  }
0x2f: {  	lr =	sadd.s32 s0, s3;
	s0 =	sld [smem:$0x3FAD]  }
0x30: {  	s3 =	sld [smem:$0x3FB0]  }
0x31: {  	[smem:$0x3FB9] =	sst s10  }
0x32: {  	s10 =	sld [smem:$0x3FB7];
	_ =	sdelay $0x3  }
0x33: {  	p0 =	seq.s32 s10, $0x1;
	s10 =	sld [smem:$0x3FB9];
	_ =	sdelay $0x3  }
0x34: {  	[smem:$0x3FB9] =	sst s10  }
0x35: {  	s10 =	sld [smem:$0x3FB8];
	_ =	sdelay $0x3  }
0x36: {  	p1 =	seq.s32 s10, $0x1;
	s10 =	sld [smem:$0x3FB9];
	_ =	sdelay $0x3  }
0x37: {  	[smem:$0x3FB9] =	sst s10  }
0x38: {  	s10 =	sld [smem:$0x3FBA]  }
0x39: {  	_ = 	snop;
	(pc) =	sbr.ind lr, $3  }
0x3a: {  	_ = 	snop  }
0x3b: {  	_ = 	snop  }
0x3c: {  	p2 =	seq.s32 s10, $0x1;
	s10 =	sld [smem:$0x3FB9]  }
0x3d: {  	_ =	shalt  }
0x3e: {  	_ =	shalt  }
0x3f: {  	_ =	shalt  }
0x40: {  	_ =	shalt  }
0x41: {  	_ =	shalt  }
0x42: {  	_ =	shalt  }
0x43: {  	_ =	shalt  }
0x44: {  	_ =	shalt  }
0x45: {  	_ =	shalt  }
0x46: {  	_ =	shalt  }
0x47: {  	_ =	shalt  }
0x48: {  	_ =	shalt  }
0x49: {  	_ =	shalt  }
0x4a: {  	_ =	shalt  }
0x4b: {  	_ =	shalt  }
0x4c: {  	_ =	shalt  }
0x4d: {  	_ =	shalt  }
0x4e: {  	_ =	shalt  }
0x4f: {  	_ =	shalt  }
0x50: {  	_ =	shalt  }
0x51: {  	_ =	shalt  }
0x52: {  	_ =	shalt  }
0x53: {  	_ =	shalt  }
0x54: {  	_ =	shalt  }
0x55: {  	_ =	shalt  }
0x56: {  	_ =	shalt  }
0x57: {  	_ =	shalt  }
0x58: {  	_ =	shalt  }
0x59: {  	_ =	shalt  }
0x5a: {  	_ =	shalt  }
0x5b: {  	_ =	shalt  }
0x5c: {  	_ =	shalt  }
0x5d: {  	_ =	shalt  }
0x5e: {  	_ =	shalt  }
0x5f: {  	_ =	shalt  }
0x60: {  	_ =	shalt  }
0x61: {  	_ =	shalt  }
0x62: {  	_ =	shalt  }
0x63: {  	_ =	shalt  }
0x64: {  	_ =	shalt  }
0x65: {  	_ =	shalt  }
0x66: {  	_ =	shalt  }
0x67: {  	_ =	shalt  }
0x68: {  	_ =	shalt  }
0x69: {  	_ =	shalt  }
0x6a: {  	_ =	shalt  }
0x6b: {  	_ =	shalt  }
0x6c: {  	_ =	shalt  }
0x6d: {  	_ =	shalt  }
0x6e: {  	_ =	shalt  }
0x6f: {  	_ =	shalt  }
0x70: {  	_ =	shalt  }
0x71: {  	_ =	shalt  }
0x72: {  	_ =	shalt  }
0x73: {  	_ =	shalt  }
0x74: {  	_ =	shalt  }
0x75: {  	_ =	shalt  }
0x76: {  	_ =	shalt  }
0x77: {  	_ =	shalt  }
0x78: {  	_ =	shalt  }
0x79: {  	_ =	shalt  }
0x7a: {  	_ =	shalt  }
0x7b: {  	_ =	shalt  }
0x7c: {  	_ =	shalt  }
0x7d: {  	_ =	shalt  }
0x7e: {  	_ =	shalt  }
0x7f: {  	_ =	shalt  }
0x80: {  	_ =	shalt  }
0x81: {  	_ =	shalt  }
0x82: {  	_ =	shalt  }
0x83: {  	_ =	shalt  }
0x84: {  	_ =	shalt  }
0x85: {  	_ =	shalt  }
0x86: {  	_ =	shalt  }
0x87: {  	_ =	shalt  }
.Lfunc_end0:
.L_simem_size_0:
called_computation_lowered:
.L_overlay_start_0:
0x88: {  	s2 =	sld [smem:$0x3FD9]  }
0x89: {  	s3 =	sld [smem:$0x3FFE];
	_ =	sdelay $0x1  }
0x8a: {  	s1 =	srdreg.scid  }
0x8b: {  	s0 =	sand.u32 $0x1, s1  }
0x8c: {  	s17 =	sshll.u32 s0, $0xA;
	s2 =	sadd.s32 s3, s2  }
0x8d: {  	s2 =	sadd.s32 s2, s17  }
0x8e: {  	[smem:$0x3FC5] =	sst s2  }
0x8f: {  	_ = 	snop  }
0x90: {  	s2 =	sld [smem:$0x3FC9]  }
0x91: {  	s18 =	sld [smem:$0x3FC8];
	(tm) =	ssettm $0x1  }
0x92: {  	s4 =	sld [smem:$0x3FFB];
	_ =	sdelay $0x3  }
0x93: {  	_ =	strace s4  }
0x94: {  	s4 =	sld [smem:$0x3FFC];
	_ =	sdelay $0x3  }
0x95: {  	_ =	strace s4  }
0x96: {  	s4 =	sld [smem:$0x3FFD];
	_ =	sdelay $0x3  }
0x97: {  	_ =	strace s4  }
0x98: {  	_ =	strace $0x8FFFFFFF  }
0x99: {  	s19 =	sld [smem:$0x3FDB];
	_ =	sdelay $0x1  }
0x9a: {  	s5 =	simm.s32 $_scs_section_size  }
0x9b: {  	s6 =	simm.s32 $_size__tile_overlayer_lowered;
	s7 =	simm.s32 $_tile_overlayer_lowered  }
0x9c: {  	s22 =	simm.s32 $0x1BFF;
	s21 =	sshll.u32 s7, $0x1;
	s4 =	sadd.s32 s5, s19  }
0x9d: {  	s8 =	simm.s32 $0x0;
	s20 =	sshll.u32 s6, $0x1;
	s6 =	sadd.s32 s21, s4  }
0x9e: {  	[timem:s8], [sflag:s22] =	dma.local [hbm:s6], s20  }
0x9f: {  	_ =	swait.ge [sflag:s22], s20  }
0xa0: {  	s5 =	ssub.s32 $0x0, s20;
	[sflag:s22] =	ssyncset.done $0x0  }
0xa1: {  	[sflag:s22] =	ssyncadd.s32 s5;
	_ =	sdelay $0x1  }
0xa2: {  	s23 =	simm.s32 $0x1B8B  }
0xa3: {  	_ =	swait.ge [sflag:s23], $0x1  }
0xa4: {  	[sflag:s23] =	ssyncset.done $0x0  }
0xa5: {  	s25 =	simm.s32 $0x1B8E;
	s24 =	sld [smem:$0x3FFE];
	[sflag:s23] =	ssyncadd.s32 $0xFFFFFFFF  }
0xa6: {  	s26 =	simm.s32 $execute0_lowered;
	[smem:$0x3FD2] =	sst s25  }
0xa7: {  	s6 =	sshll.u32 s26, $0x1;
	_ =	strace $0x80000046;
	[dreg:$0x1] =	wrdreg $0xFFFFFFFF  }
0xa8: {  	s28 =	simm.s32 $_size_execute0_lowered;
	s4 =	sadd.s32 s4, s6;
	[dreg:$0x0] =	wrdreg $0x0  }
0xa9: {  	s6 =	sshll.u32 s28, $0x1;
	[dreg:$0x2] =	wrdreg s4  }
0xaa: {  	[dreg:$0x3] =	wrdreg s6  }
0xab: {  	[dreg:$0x4] =	wrdreg $0xC0  }
0xac: {  	_ =	task [dreg:s8], $0x5FFFF  }
0xad: {  	[dreg:$0x1] =	wrdreg $0xFFFFFFFF  }
0xae: {  	[dreg:$0x0] =	wrdreg $0x60  }
0xaf: {  	[dreg:$0x2] =	wrdreg s2  }
0xb0: {  	[dreg:$0x3] =	wrdreg s18  }
0xb1: {  	[dreg:$0x4] =	wrdreg s24  }
0xb2: {  	[dreg:$0x5] =	wrdreg $0x9  }
0xb3: {  	_ =	task.clear_ibuf [dreg:s8], $0x6FFFF;
	_ =	strace $0x90000046  }
0xb4: {  	s29 =	simm.s32 $0x9;
	_ =	strace $0x80000048  }
0xb5: {  	_ =	swait.ge [sflag:s29], $0x1  }
0xb6: {  	[sflag:s29] =	ssyncadd.s32 $0xFFFFFFFF  }
0xb7: {  	_ =	strace $0x90000048  }
0xb8: {  	_ =	sfence  }
0xb9: {  	s30 =	sld [smem:$0x0];
	_ =	sdelay $0x2  }
0xba: {  	s31 =	sshll.u32 s1, $0xD;
	s1 =	sshrl.u32 s1, $0x2  }
0xbb: {  	s3 =	sand.u32 $0x4000, s31;
	s1 =	sadd.s32 s1, s30  }
0xbc: {  	s0 =	sor.u32 s3, s0;
	s1 =	sshll.u32 s1, $0x11  }
0xbd: {  	s0 =	sor.u32 s1, s0  }
0xbe: {  	s0 =	sadd.s32 $0x8F2B, s0  }
0xbf: {  	[sflag:s0] =	ssyncadd.remote.s32 $0x1  }
0xc0: {  	_ =	sfence.sel $0xFFFF  }
0xc1: {  	[dreg:$0x0] =	wrdreg $0xFFFFFFFF;
	(pc) =	sbr.abs _section_cstart, $3  }
0xc2: {  	[dreg:$0x1] =	wrdreg $0xFFFFFFFF  }
0xc3: {  	_ =	task.clear_ibuf [dreg:s8], $0x2FFFF;
	_ =	strace $0x9FFFFFFF  }
0xc4: {  	(tm) =	ssettm $0x7FFFFFFF  }
0xc5: {  	_ =	shalt  }
tec
execute0_lowered:
.L_overlay_start_1:
0x0: {  	(tag) =	ssettag $0x1  }
0x1: {  	s4 =	rddreg [dreg:$0x0]  }
0x2: {  	s5 =	rddreg [dreg:$0x1]  }
0x3: {  	s6 =	rddreg [dreg:$0x2]  }
0x4: {  	s3 =	srdreg.scid;
	s2 =	simm.s32 $0x0;
	s0 =	stileid.u32  }
0x5: {  	s10 =	simm.s32 $0x400;
	s11 =	simm.s32 $0x0;
	s7 =	sand.u32 $0x1, s3  }
0x6: {  	[smem:$0x7FF] =	sst s2;
	s30 =	sshll.u32 s0, $0xA;
	s8 =	sshll.u32 s7, $0x9  }
0x7: {  	s3 =	sadd.s32 $0x400, s6;
	s7 =	ssub.s32 $0x2, s7;
	s8 =	sor.u32 s8, s30  }
0x8: {  	_ =	strace $0x80000047;
	s31 =	sshrl.u32 s7, $0x1;
	s9 =	sshll.u32 s8, $0x4  }
0x9: {  	s8 =	sshrl.u32 s8, $0x3;
	s7 =	ssub.s32 s7, s31;
	s6 =	sadd.s32 s9, s6  }
0xa: {  	s4 =	sadd.s32 s4, s8;
	s5 =	sadd.s32 s5, s8;
	s7 =	smax.u32 s7, $0x1  }
0xb: {  	s8 =	simm.s32 $0x2;
	s9 =	simm.s32 $0x1;
	s6 =	sadd.s32 $0x187000, s6  }
.LBB2_1:
0xc: {  	[tilespmem:s2], [sflag:$0x2] =	stream.linear.gather [hbm4b:s4+s2], $0x200, $0x38;
	[tilespmem:$0x10400] =	vst v63  }
0xd: {  	_ =	swait.ge [sflag:s8], $0x200  }
0xe: {  	[sflag:s8] =	ssyncset.done $0x0  }
0xf: {  	s13 =	simm.s32 $0x200;
	[sflag:s8] =	ssyncadd.s32 $0xFFFFFE00  }
0x10: {  	[tilespmem:s13], [sflag:$0x2] =	stream.linear.gather [hbm4b:s5+s2], $0x200, $0x38;
	[tilespmem:$0x10400] =	vst v63  }
0x11: {  	_ =	swait.ge [sflag:s8], $0x200  }
0x12: {  	[sflag:s8] =	ssyncset.done $0x0  }
0x13: {  	[sflag:s8] =	ssyncadd.s32 $0xFFFFFE00  }
0x14: {  	v0 =	vld [tilespmem:s13+$0x0]  }
0x15: {  	v1 =	vld [tilespmem:s2+$0x0];
	_ =	sdelay $0x3  }
0x16: {  	vm0 =	veq.s32 v0, $0x1  }
0x17: {  	v0 =	vsel vm0, $0x186A0, v1  }
0x18: {  	v0 =	vshll.u32 v0, $0x4  }
0x19: {  	(v2sf) =	vpush v0, $0x0  }
0x1a: {  	(v2sf) =	vpush v0, $0x1  }
0x1b: {  	(v2sf) =	vpush v0, $0x2;
	_ =	sdelay $0x1  }
0x1c: {  	(v2sf) =	vpush v0, $0x4;
	_ =	sdelay $0x1  }
0x1d: {  	(v2sf) =	vpush v0, $0x3  }
0x1e: {  	(v2sf) =	vpush v0, $0x5  }
0x1f: {  	s14 =	simm.s32 $0x2000;
	s12 =	simm.s32 $0x0;
	s15 =	simm.s32 $0x0;
	(v2sf) =	vpush v0, $0x6  }
.LBB2_2:
0x20: {  	s25 =	sadd.s32 $0x480, s12  }
0x21: {  	s17 =	sadd.s32 $0x980, s12;
	s15 =	sadd.s32 $0x10, s15;
	s16 =	smov.u32 s14  }
0x22: {  	p0 =	sne.s32 s14, $0x3E000;
	s22 =	sadd.s32 $0x780, s12;
	s18 =	sadd.s32 $0xA00, s12;
	(v2sf) =	vpush v0, $0x7  }
0x23: {  	s24 =	sadd.s32 $0x680, s12;
	s20 =	sadd.s32 $0x800, s12;
	s19 =	sadd.s32 $0xA80, s12  }
0x24: {  	s14 =	sadd.s32 $0x2000, s14;
	s26 =	sadd.s32 $0x400, s12;
	s28 =	sadd.s32 $0x600, s12;
	(v2sf) =	vpush v0, $0x8  }
0x25: {  	s29 =	sadd.s32 $0x700, s12;
	s13 =	sadd.s32 $0x10, s13  }
0x26: {  	s30 =	sadd.s32 $0x500, s12;
	s21 =	sadd.s32 $0x900, s12;
	s23 =	spop (v2sf);
	(v2sf) =	vpush v0, $0x9  }
0x27: {  	s31 =	sand.u32 $0x1FFFFFF0, s23;
	s23 =	sadd.s32 $0x880, s12;
	s0 =	spop (v2sf)  }
0x28: {  	s31 =	sadd.s32 s3, s31;
	s0 =	sand.u32 $0x1FFFFFF0, s0;
	s1 =	spop (v2sf);
	(v2sf) =	vpush v0, $0xA  }
0x29: {  	[tilespmem:s26], [sflag:$0x1] =	stream.linear.gather [hbm4b:s31+s2], $0x80, $0x38;
	[tilespmem:$0x10400] =	vst v63  }
0x2a: {  	s0 =	sadd.s32 s3, s0;
	s26 =	sadd.s32 $0x580, s12;
	s31 =	spop (v2sf);
	(v2sf) =	vpush v0, $0xB  }
0x2b: {  	[tilespmem:s25], [sflag:$0x1] =	stream.linear.gather [hbm4b:s0+s2], $0x80, $0x38;
	[tilespmem:$0x10400] =	vst v63  }
0x2c: {  	s0 =	sand.u32 $0x1FFFFFF0, s1;
	s1 =	sand.u32 $0x1FFFFFF0, s31;
	s25 =	spop (v2sf);
	(v2sf) =	vpush v0, $0xC  }
0x2d: {  	s0 =	sadd.s32 s3, s0;
	s25 =	sand.u32 $0x1FFFFFF0, s25;
	s31 =	spop (v2sf)  }
0x2e: {  	[tilespmem:s30], [sflag:$0x1] =	stream.linear.gather [hbm4b:s0+s2], $0x80, $0x38;
	(v2sf) =	vpush v0, $0xD;
	[tilespmem:$0x10400] =	vst v63  }
0x2f: {  	s0 =	sadd.s32 s3, s25;
	s25 =	sand.u32 $0x1FFFFFF0, s31;
	s30 =	spop (v2sf)  }
0x30: {  	[tilespmem:s26], [sflag:$0x1] =	stream.linear.gather [hbm4b:s0+s2], $0x80, $0x38;
	(v2sf) =	vpush v0, $0xE;
	[tilespmem:$0x10400] =	vst v63  }
0x31: {  	s0 =	sadd.s32 s3, s1;
	s1 =	sand.u32 $0x1FFFFFF0, s30;
	s26 =	spop (v2sf)  }
0x32: {  	[tilespmem:s28], [sflag:$0x1] =	stream.linear.gather [hbm4b:s0+s2], $0x80, $0x38;
	(v2sf) =	vpush v0, $0xF;
	[tilespmem:$0x10400] =	vst v63  }
0x33: {  	s0 =	sadd.s32 s3, s25;
	s25 =	sand.u32 $0x1FFFFFF0, s26;
	s26 =	spop (v2sf)  }
0x34: {  	[tilespmem:s24], [sflag:$0x1] =	stream.linear.gather [hbm4b:s0+s2], $0x80, $0x38;
	[tilespmem:$0x10400] =	vst v63  }
0x35: {  	s0 =	sadd.s32 s3, s1;
	s1 =	sand.u32 $0x1FFFFFF0, s26;
	s24 =	spop (v2sf)  }
0x36: {  	[tilespmem:s29], [sflag:$0x1] =	stream.linear.gather [hbm4b:s0+s2], $0x80, $0x38;
	[tilespmem:$0x10400] =	vst v63  }
0x37: {  	s0 =	sadd.s32 s3, s25;
	s24 =	sand.u32 $0x1FFFFFF0, s24;
	s25 =	spop (v2sf)  }
0x38: {  	[tilespmem:s22], [sflag:$0x1] =	stream.linear.gather [hbm4b:s0+s2], $0x80, $0x38;
	[tilespmem:$0x10400] =	vst v63  }
0x39: {  	s0 =	sadd.s32 s3, s1;
	s1 =	sand.u32 $0x1FFFFFF0, s25;
	s22 =	spop (v2sf)  }
0x3a: {  	[tilespmem:s20], [sflag:$0x1] =	stream.linear.gather [hbm4b:s0+s2], $0x80, $0x38;
	[tilespmem:$0x10400] =	vst v63  }
0x3b: {  	s0 =	sadd.s32 s3, s24;
	s20 =	sand.u32 $0x1FFFFFF0, s22;
	s22 =	spop (v2sf)  }
0x3c: {  	[tilespmem:s23], [sflag:$0x1] =	stream.linear.gather [hbm4b:s0+s2], $0x80, $0x38;
	[tilespmem:$0x10400] =	vst v63  }
0x3d: {  	s0 =	sadd.s32 s3, s1;
	s1 =	sand.u32 $0x1FFFFFF0, s22;
	s22 =	spop (v2sf)  }
0x3e: {  	[tilespmem:s21], [sflag:$0x1] =	stream.linear.gather [hbm4b:s0+s2], $0x80, $0x38;
	[tilespmem:$0x10400] =	vst v63  }
0x3f: {  	s0 =	sadd.s32 s3, s20;
	s20 =	sand.u32 $0x1FFFFFF0, s22;
	s21 =	spop (v2sf)  }
0x40: {  	[tilespmem:s17], [sflag:$0x1] =	stream.linear.gather [hbm4b:s0+s2], $0x80, $0x38;
	[tilespmem:$0x10400] =	vst v63  }
0x41: {  	s0 =	sadd.s32 s3, s1;
	s1 =	sand.u32 $0x1FFFFFF0, s21;
	s17 =	spop (v2sf)  }
0x42: {  	[tilespmem:s18], [sflag:$0x1] =	stream.linear.gather [hbm4b:s0+s2], $0x80, $0x38;
	[tilespmem:$0x10400] =	vst v63  }
0x43: {  	s0 =	sadd.s32 s3, s20;
	s17 =	sand.u32 $0x1FFFFFF0, s17  }
0x44: {  	[tilespmem:s19], [sflag:$0x1] =	stream.linear.gather [hbm4b:s0+s2], $0x80, $0x38;
	[tilespmem:$0x10400] =	vst v63  }
0x45: {  	s1 =	sadd.s32 s3, s1;
	s0 =	sadd.s32 $0xB00, s12  }
0x46: {  	[tilespmem:s0], [sflag:$0x1] =	stream.linear.gather [hbm4b:s1+s2], $0x80, $0x38;
	[tilespmem:$0x10400] =	vst v63  }
0x47: {  	s0 =	sadd.s32 $0xB80, s12;
	s1 =	sadd.s32 s3, s17  }
0x48: {  	[tilespmem:s0], [sflag:$0x1] =	stream.linear.gather [hbm4b:s1+s2], $0x80, $0x38;
	[tilespmem:$0x10400] =	vst v63  }
0x49: {  	v0 =	vld [tilespmem:s13+$0x0]  }
0x4a: {  	v1 =	vld [tilespmem:s15+$0x0];
	_ =	sdelay $0x3  }
0x4b: {  	vm0 =	veq.s32 v0, $0x1  }
0x4c: {  	v0 =	vsel vm0, $0x186A0, v1  }
0x4d: {  	v0 =	vshll.u32 v0, $0x4  }
0x4e: {  	(v2sf) =	vpush v0, $0x0  }
0x4f: {  	(v2sf) =	vpush v0, $0x1  }
0x50: {  	(v2sf) =	vpush v0, $0x2;
	_ =	sdelay $0x1  }
0x51: {  	(v2sf) =	vpush v0, $0x4  }
.Ltmp0:
0x52: {  	(pc) =	sbr.rel @p0 .LBB2_2-.Ltmp0, $3  }
0x53: {  	(v2sf) =	vpush v0, $0x3  }
0x54: {  	(v2sf) =	vpush v0, $0x5;
	_ =	sdelay $0x1  }
0x55: {  	s12 =	sshra.s32 s16, $0x2;
	(v2sf) =	vpush v0, $0x6  }
0x56: {  	_ =	sdelay $0x1  }
0x57: {  	s0 =	sadd.s32 $0x480, s12;
	s15 =	sadd.s32 $0x980, s12  }
0x58: {  	s1 =	sadd.s32 $0x780, s12;
	s13 =	sadd.s32 $0xA00, s12;
	(v2sf) =	vpush v0, $0x7;
	s16 =	sadd.s32 $0x680, s12  }
0x59: {  	s17 =	sadd.s32 $0x800, s12;
	s14 =	sadd.s32 $0xA80, s12;
	s18 =	sadd.s32 $0x400, s12  }
0x5a: {  	s19 =	sadd.s32 $0x600, s12;
	s20 =	sadd.s32 $0x700, s12;
	(v2sf) =	vpush v0, $0x8;
	s21 =	spop (v2sf)  }
0x5b: {  	s22 =	sadd.s32 $0x500, s12;
	s21 =	sand.u32 $0x1FFFFFF0, s21;
	s23 =	spop (v2sf)  }
0x5c: {  	(v2sf) =	vpush v0, $0x9;
	s21 =	sadd.s32 s3, s21;
	s23 =	sand.u32 $0x1FFFFFF0, s23;
	s24 =	spop (v2sf)  }
0x5d: {  	[tilespmem:s18], [sflag:$0x1] =	stream.linear.gather [hbm4b:s21+s2], $0x80, $0x38;
	[tilespmem:$0x10400] =	vst v63  }
0x5e: {  	s25 =	sadd.s32 $0x580, s12;
	(v2sf) =	vpush v0, $0xA;
	s30 =	sadd.s32 s3, s23;
	s31 =	spop (v2sf)  }
0x5f: {  	[tilespmem:s0], [sflag:$0x1] =	stream.linear.gather [hbm4b:s30+s2], $0x80, $0x38;
	[tilespmem:$0x10400] =	vst v63  }
0x60: {  	s18 =	sadd.s32 $0x900, s12;
	s24 =	sand.u32 $0x1FFFFFF0, s24;
	(v2sf) =	vpush v0, $0xB;
	s26 =	spop (v2sf)  }
0x61: {  	s21 =	sadd.s32 s3, s24;
	s0 =	sadd.s32 $0x880, s12;
	s24 =	sand.u32 $0x1FFFFFF0, s26  }
0x62: {  	(v2sf) =	vpush v0, $0xC;
	[tilespmem:s22], [sflag:$0x1] =	stream.linear.gather [hbm4b:s21+s2], $0x80, $0x38;
	[tilespmem:$0x10400] =	vst v63  }
0x63: {  	s28 =	sand.u32 $0x1FFFFFF0, s31;
	s29 =	spop (v2sf);
	s30 =	sadd.s32 s3, s24  }
0x64: {  	(v2sf) =	vpush v0, $0xD;
	[tilespmem:s25], [sflag:$0x1] =	stream.linear.gather [hbm4b:s30+s2], $0x80, $0x38;
	[tilespmem:$0x10400] =	vst v63  }
0x65: {  	s21 =	sadd.s32 s3, s28;
	s22 =	sand.u32 $0x1FFFFFF0, s29;
	s31 =	spop (v2sf)  }
0x66: {  	(v2sf) =	vpush v0, $0xE;
	[tilespmem:s19], [sflag:$0x1] =	stream.linear.gather [hbm4b:s21+s2], $0x80, $0x38;
	[tilespmem:$0x10400] =	vst v63  }
0x67: {  	s22 =	sadd.s32 s3, s22;
	s23 =	sand.u32 $0x1FFFFFF0, s31;
	s24 =	spop (v2sf)  }
0x68: {  	(v2sf) =	vpush v0, $0xF;
	[tilespmem:s16], [sflag:$0x1] =	stream.linear.gather [hbm4b:s22+s2], $0x80, $0x38;
	[tilespmem:$0x10400] =	vst v63  }
0x69: {  	s25 =	sand.u32 $0x1FFFFFF0, s24;
	s26 =	spop (v2sf);
	s19 =	sadd.s32 s3, s23  }
0x6a: {  	[tilespmem:s20], [sflag:$0x1] =	stream.linear.gather [hbm4b:s19+s2], $0x80, $0x38;
	[tilespmem:$0x10400] =	vst v63  }
0x6b: {  	s28 =	sand.u32 $0x1FFFFFF0, s26;
	s16 =	sadd.s32 s3, s25;
	s29 =	spop (v2sf)  }
0x6c: {  	[tilespmem:s1], [sflag:$0x1] =	stream.linear.gather [hbm4b:s16+s2], $0x80, $0x38;
	[tilespmem:$0x10400] =	vst v63  }
0x6d: {  	s19 =	sadd.s32 s3, s28;
	s30 =	sand.u32 $0x1FFFFFF0, s29;
	s31 =	spop (v2sf)  }
0x6e: {  	[tilespmem:s17], [sflag:$0x1] =	stream.linear.gather [hbm4b:s19+s2], $0x80, $0x38;
	[tilespmem:$0x10400] =	vst v63  }
0x6f: {  	s16 =	sand.u32 $0x1FFFFFF0, s31;
	s1 =	sadd.s32 s3, s30;
	s20 =	spop (v2sf)  }
0x70: {  	[tilespmem:s0], [sflag:$0x1] =	stream.linear.gather [hbm4b:s1+s2], $0x80, $0x38;
	[tilespmem:$0x10400] =	vst v63  }
0x71: {  	s16 =	sadd.s32 s3, s16;
	s21 =	sand.u32 $0x1FFFFFF0, s20;
	s22 =	spop (v2sf)  }
0x72: {  	[tilespmem:s18], [sflag:$0x1] =	stream.linear.gather [hbm4b:s16+s2], $0x80, $0x38;
	[tilespmem:$0x10400] =	vst v63  }
0x73: {  	s0 =	sadd.s32 s3, s21;
	s1 =	sand.u32 $0x1FFFFFF0, s22;
	s23 =	spop (v2sf)  }
0x74: {  	[tilespmem:s15], [sflag:$0x1] =	stream.linear.gather [hbm4b:s0+s2], $0x80, $0x38;
	[tilespmem:$0x10400] =	vst v63  }
0x75: {  	s24 =	sand.u32 $0x1FFFFFF0, s23;
	s1 =	sadd.s32 s3, s1;
	s25 =	spop (v2sf)  }
0x76: {  	[tilespmem:s13], [sflag:$0x1] =	stream.linear.gather [hbm4b:s1+s2], $0x80, $0x38;
	[tilespmem:$0x10400] =	vst v63  }
0x77: {  	s26 =	sand.u32 $0x1FFFFFF0, s25;
	s28 =	spop (v2sf);
	s0 =	sadd.s32 s3, s24  }
0x78: {  	[tilespmem:s14], [sflag:$0x1] =	stream.linear.gather [hbm4b:s0+s2], $0x80, $0x38;
	[tilespmem:$0x10400] =	vst v63  }
0x79: {  	s30 =	sadd.s32 $0xB00, s12;
	s29 =	sand.u32 $0x1FFFFFF0, s28;
	s1 =	sadd.s32 s3, s26  }
0x7a: {  	[tilespmem:s30], [sflag:$0x1] =	stream.linear.gather [hbm4b:s1+s2], $0x80, $0x38;
	[tilespmem:$0x10400] =	vst v63  }
0x7b: {  	s31 =	sadd.s32 $0xB80, s12;
	s0 =	sadd.s32 s3, s29  }
0x7c: {  	[tilespmem:s31], [sflag:$0x1] =	stream.linear.gather [hbm4b:s0+s2], $0x80, $0x38;
	[tilespmem:$0x10400] =	vst v63  }
0x7d: {  	s11 =	sadd.s32 $0x1, s11;
	_ =	swait.ge [sflag:s9], $0x10000  }
0x7e: {  	p0 =	sne.s32 s11, s7;
	[sflag:s9] =	ssyncset.done $0x0  }
.Ltmp1:
0x7f: {  	[sflag:s9] =	ssyncadd.s32 $0xFFFF0000;
	(pc) =	sbr.rel @p0 .LBB2_1-.Ltmp1, $4  }
0x80: {  	[hbm4b:s6+s2] =	stream.linear.scatter [tilespmem:s10], [sflag:$0x2], $0x10000, $0x38;
	[tilespmem:$0x10400] =	vst v63  }
0x81: {  	_ =	swait.ge [sflag:s8], $0x10000  }
0x82: {  	[sflag:s8] =	ssyncset.done $0x0  }
0x83: {  	[sflag:s8] =	ssyncadd.s32 $0xFFFF0000  }
0x84: {  	_ =	sfence.sel $0x180000  }
0x85: {  	[bflag:$0x0] =	sbarrier.arrive $0xFFFF  }
0x86: {  	_ =	strace $0x90000047  }
0x87: {  	s0 =	stileid.u32;
	[bflag:$0x2] =	sbarrier.arrive $0xFFFF  }
0x88: {  	p0 =	sne.s32 s0, $0x0;
	s0 =	rddreg [dreg:$0x3]  }
0x89: {  	s0 =	sadd.s32 @!p0 $0x100000, s0  }
0x8a: {  	[sflag:s0] =	ssyncadd.tile.s32 @!p0 $0x1;
	_ =	shalt  }
.Lfunc_end2:
_tile_overlayer_lowered:
.L_overlay_start_2:
0x8b: {  	(tag) =	ssettag $0x2  }
0x8c: {  	s0 =	rddreg [dreg:$0x0];
	s2 =	stileid.u32  }
0x8d: {  	s1 =	rddreg [dreg:$0x1];
	p0 =	sne.s32 s2, $0x0  }
0x8e: {  	s3 =	rddreg [dreg:$0x2];
	[bflag:$0x3] =	sbarrier.arrive $0xFFFF;
	s2 =	simm.s32 @!p0 $0x1C02  }
0x8f: {  	[timem:s3], [sflag:s2] =	dma.local @!p0 [hbm:s0], s1  }
0x90: {  	s0 =	simm.s32 @!p0 $0x2  }
0x91: {  	_ =	swait.ge @!p0 [sflag:s0], s1  }
0x92: {  	s1 =	ssub.s32 @!p0 $0x0, s1;
	[sflag:s0] =	ssyncset.done @!p0 $0x0  }
0x93: {  	[sflag:s0] =	ssyncadd.s32 @!p0 s1  }
0x94: {  	[bflag:$0x3] =	sbarrier.arrive $0xFFFF  }
0x95: {  	_ =	shalt  }

</sc_bundles>
